<compile_context>
chip_gen: v7x
topology: tpu7x:2x2x1
jax: 0.10.2.dev20260603
libtpu: 0.0.44.dev20260713+nightly
codegen_flags: <defaults>
</compile_context>

<pallas_src>
import functools

import jax
import jax.numpy as jnp
from jax import lax
from jax.experimental import pallas as pl
from jax.experimental.pallas import tpu as pltpu
from jax.experimental.pallas import tpu_sc as plsc

_B = 4096
_D = 128
_NC, _NS = 2, 16
_NW = _NC * _NS
_BPW = _B // _NW

_N_REL = 460
_REL_PAD = 512
_RB = 1024
_GRID = _B // _RB


def _sc_gather_body(heads_hbm, tails_hbm, e1_hbm, e2_hbm,
                    hr_out, hi_out, tr_out, ti_out,
                    hidx_v, tidx_v, bhr, bhi, btr, bti, sem, osem):
    wid = lax.axis_index("s") * _NC + lax.axis_index("c")
    base = wid * _BPW
    i1 = pltpu.async_copy(heads_hbm.at[pl.ds(base, _BPW)], hidx_v, sem)
    i2 = pltpu.async_copy(tails_hbm.at[pl.ds(base, _BPW)], tidx_v, sem)
    i1.wait()
    c1 = pltpu.async_copy(e1_hbm.at[hidx_v], bhr, sem)
    c2 = pltpu.async_copy(e2_hbm.at[hidx_v], bhi, sem)
    i2.wait()
    c3 = pltpu.async_copy(e1_hbm.at[tidx_v], btr, sem)
    c4 = pltpu.async_copy(e2_hbm.at[tidx_v], bti, sem)
    c1.wait()
    s1 = pltpu.async_copy(bhr, hr_out.at[pl.ds(base, _BPW)], osem)
    c2.wait()
    s2 = pltpu.async_copy(bhi, hi_out.at[pl.ds(base, _BPW)], osem)
    c3.wait()
    s3 = pltpu.async_copy(btr, tr_out.at[pl.ds(base, _BPW)], osem)
    c4.wait()
    s4 = pltpu.async_copy(bti, ti_out.at[pl.ds(base, _BPW)], osem)
    s1.wait()
    s2.wait()
    s3.wait()
    s4.wait()


@functools.cache
def _sc_gather():
    return pl.kernel(
        _sc_gather_body,
        out_type=[jax.ShapeDtypeStruct((_B, _D), jnp.float32)] * 4,
        mesh=plsc.VectorSubcoreMesh(core_axis_name="c", subcore_axis_name="s",
                                    num_cores=_NC, num_subcores=_NS),
        scratch_types=[
            pltpu.VMEM((_BPW,), jnp.int32),
            pltpu.VMEM((_BPW,), jnp.int32),
            pltpu.VMEM((_BPW, _D), jnp.float32),
            pltpu.VMEM((_BPW, _D), jnp.float32),
            pltpu.VMEM((_BPW, _D), jnp.float32),
            pltpu.VMEM((_BPW, _D), jnp.float32),
            pltpu.SemaphoreType.DMA,
            pltpu.SemaphoreType.DMA,
        ],
    )


_PIO2_HI = 1.5707963267948966
_PIO2_LO = 6.123233995736766e-17
_TWO_OPI = 0.6366197723675814


def _sincos(x):
    k = (x * _TWO_OPI + 0.5).astype(jnp.int32)
    kf = k.astype(jnp.float32)
    r = x - kf * _PIO2_HI
    r = r - kf * _PIO2_LO
    z = r * r
    s = r + r * (z * (-1.6666654611e-1 + z * (8.3321608736e-3
                                              + z * -1.9515295891e-4)))
    c = 1.0 + z * (-0.5 + z * (4.166664568298827e-2
                               + z * -1.388731625493765e-3))
    q = k & 3
    ns, nc = -s, -c
    sin = jnp.where(q == 0, s, jnp.where(q == 1, c, jnp.where(q == 2, ns, nc)))
    cos = jnp.where(q == 0, c, jnp.where(q == 1, ns, jnp.where(q == 2, nc, s)))
    return sin, cos


def _tc_rels_body(rels_ref, day_ref, w_ref, r1_ref, r2_ref, rr_ref, ri_ref):
    rels_b = rels_ref[...].reshape(_RB, 1)
    day_b = day_ref[...].reshape(_RB, 1)
    w_v = w_ref[0, :].reshape(1, _D)
    phase = day_b * w_v
    d_img, d_real = _sincos(phase)
    iota = lax.broadcasted_iota(jnp.int32, (_RB, _REL_PAD), 1)
    onehot = (rels_b == iota).astype(jnp.float32)
    r1 = jnp.dot(onehot, r1_ref[...], preferred_element_type=jnp.float32)
    r2 = jnp.dot(onehot, r2_ref[...], preferred_element_type=jnp.float32)
    rr_ref[...] = d_real * r1 - d_img * r2
    ri_ref[...] = d_real * r2 + d_img * r1


def _tc_rels(rels, day, rel1_pad, rel2_pad, w):
    rels1 = rels.astype(jnp.int32)
    w2 = w.reshape(1, _D)
    return pl.pallas_call(
        _tc_rels_body,
        grid=(_GRID,),
        in_specs=[
            pl.BlockSpec((_RB,), lambda i: (i,)),
            pl.BlockSpec((_RB,), lambda i: (i,)),
            pl.BlockSpec((1, _D), lambda i: (0, 0)),
            pl.BlockSpec((_REL_PAD, _D), lambda i: (0, 0)),
            pl.BlockSpec((_REL_PAD, _D), lambda i: (0, 0)),
        ],
        out_specs=[
            pl.BlockSpec((_RB, _D), lambda i: (i, 0)),
            pl.BlockSpec((_RB, _D), lambda i: (i, 0)),
        ],
        out_shape=[jax.ShapeDtypeStruct((_B, _D), jnp.float32)] * 2,
    )(rels1, day, w2, rel1_pad, rel2_pad)


def kernel(heads, rels, tails, day, ent_emb1, ent_emb2, rel_emb1, rel_emb2, w):
    heads = heads.astype(jnp.int32)
    tails = tails.astype(jnp.int32)
    rel1_pad = jnp.pad(rel_emb1, ((0, _REL_PAD - _N_REL), (0, 0)))
    rel2_pad = jnp.pad(rel_emb2, ((0, _REL_PAD - _N_REL), (0, 0)))
    hr, hi, tr, ti = _sc_gather()(heads, tails, ent_emb1, ent_emb2)
    rr, ri = _tc_rels(rels, day, rel1_pad, rel2_pad, w)
    return (hr, rr, tr, hi, ri, ti)

# --- scband reference (transcript-rebuilt; emitter-appended) ---
"""Pipeline reference for scband-no-name-41970420418104 (READ-ONLY COPY).

The authoritative reference and input builder live on the scoring server;
editing this copy changes nothing except your own understanding.
"""

import jax, jax.numpy as jnp
import numpy as np

N_ENT = 100000
N_REL = 460
D_MODEL = 128
BS = 4096

def setup_inputs(seed: int = 0) -> dict:
    key = jax.random.key(seed)
    ks = jax.random.split(key, 9)
    heads = jax.random.randint(ks[0], (BS,), 0, N_ENT, dtype=jnp.int64 if jax.config.jax_enable_x64 else jnp.int32)
    rels = jax.random.randint(ks[1], (BS,), 0, N_REL, dtype=jnp.int64 if jax.config.jax_enable_x64 else jnp.int32)
    tails = jax.random.randint(ks[2], (BS,), 0, N_ENT, dtype=jnp.int64 if jax.config.jax_enable_x64 else jnp.int32)
    day = jax.random.uniform(ks[3], (BS,), dtype=jnp.float32) * 30.0
    ent_emb1 = jax.random.normal(ks[4], (N_ENT, D_MODEL), dtype=jnp.float32) * 0.02
    ent_emb2 = jax.random.normal(ks[5], (N_ENT, D_MODEL), dtype=jnp.float32) * 0.02
    rel_emb1 = jax.random.normal(ks[6], (N_REL, D_MODEL), dtype=jnp.float32) * 0.02
    rel_emb2 = jax.random.normal(ks[7], (N_REL, D_MODEL), dtype=jnp.float32) * 0.02
    w = jnp.asarray((1.0 / 10.0 ** np.linspace(0, 9, D_MODEL)).astype(np.float32))
    return {"heads": heads, "rels": rels, "tails": tails, "day": day,
            "ent_emb1": ent_emb1, "ent_emb2": ent_emb2,
            "rel_emb1": rel_emb1, "rel_emb2": rel_emb2, "w": w}

def reference(heads, rels, tails, day, ent_emb1, ent_emb2, rel_emb1, rel_emb2, w):
    # d_img = sin(w * day), d_real = cos(w * day)  -> [BS, D_MODEL]
    phase = w[None, :] * day[:, None]
    d_img = jnp.sin(phase)
    d_real = jnp.cos(phase)
    # embedding gathers (SparseCore-mappable)
    r1 = jnp.take(rel_emb1, rels, axis=0)
    r2 = jnp.take(rel_emb2, rels, axis=0)
    rels_embeds_real = d_real * r1 - d_img * r2
    rels_embeds_img = d_real * r2 + d_img * r1
    heads_embeds_real = jnp.take(ent_emb1, heads, axis=0)
    tails_embeds_real = jnp.take(ent_emb1, tails, axis=0)
    heads_embeds_img = jnp.take(ent_emb2, heads, axis=0)
    tails_embeds_img = jnp.take(ent_emb2, tails, axis=0)
    return (heads_embeds_real, rels_embeds_real, tails_embeds_real,
            heads_embeds_img, rels_embeds_img, tails_embeds_img)

if __name__ == "__main__":
    import jax
    _d = setup_inputs()
    print(jax.jit(kernel)(*tuple(_d.values())))

</pallas_src>

<mosaic_0001>
#map = affine_map<(d0, d1) -> (0)>
#map1 = affine_map<(d0, d1) -> (0, 0)>
module attributes {stable_mosaic.version = 14 : i64} {
  func.func @_sc_gather_body(%arg0: i32, %arg1: i32, %arg2: memref<4096xi32, #tpu.memory_space<hbm>>, %arg3: memref<4096xi32, #tpu.memory_space<hbm>>, %arg4: memref<100000x128xf32, #tpu.memory_space<hbm>>, %arg5: memref<100000x128xf32, #tpu.memory_space<hbm>>, %arg6: memref<4096x128xf32, #tpu.memory_space<hbm>>, %arg7: memref<4096x128xf32, #tpu.memory_space<hbm>>, %arg8: memref<4096x128xf32, #tpu.memory_space<hbm>>, %arg9: memref<4096x128xf32, #tpu.memory_space<hbm>>, %arg10: memref<128xi32, #tpu.memory_space<vmem>>, %arg11: memref<128xi32, #tpu.memory_space<vmem>>, %arg12: memref<128x128xf32, #tpu.memory_space<vmem>>, %arg13: memref<128x128xf32, #tpu.memory_space<vmem>>, %arg14: memref<128x128xf32, #tpu.memory_space<vmem>>, %arg15: memref<128x128xf32, #tpu.memory_space<vmem>>, %arg16: memref<!tpu.dma_semaphore, #tpu.memory_space<semaphore_mem>>, %arg17: memref<!tpu.dma_semaphore, #tpu.memory_space<semaphore_mem>>) attributes {dimension_semantics = [#tpu.dimension_semantics<core_parallel>, #tpu.dimension_semantics<subcore_parallel>], iteration_bounds = array<i64: 2, 16>, scalar_prefetch = 0 : i64, scratch_operands = 8 : i64, tpu.core_type = #tpu.core_type<sc_vector_subcore>, window_params = [{transform_indices = #map}, {transform_indices = #map}, {transform_indices = #map1}, {transform_indices = #map1}, {transform_indices = #map1}, {transform_indices = #map1}, {transform_indices = #map1}, {transform_indices = #map1}]} {
    %mul3A = arith.constant 2 : i32
    %mul3A_0 = arith.muli %arg1, %mul3A : i32
    %add3A = arith.addi %mul3A_0, %arg0 : i32
    %mul3A_1 = arith.constant 128 : i32
    %mul3A_2 = arith.muli %add3A, %mul3A_1 : i32
    %dma_start3A = tpu.memref_slice %arg2[%mul3A_2] : memref<4096xi32, #tpu.memory_space<hbm>> -> memref<128xi32, #tpu.memory_space<hbm>>
    %dma_start3A_3 = tpu.memref_slice %arg2[%mul3A_2] : memref<4096xi32, #tpu.memory_space<hbm>> -> memref<128xi32, #tpu.memory_space<hbm>>
    tpu.enqueue_dma source(%dma_start3A_3 : memref<128xi32, #tpu.memory_space<hbm>>) target(%arg10 : memref<128xi32, #tpu.memory_space<vmem>>) target_semaphore(%arg16 : memref<!tpu.dma_semaphore, #tpu.memory_space<semaphore_mem>>)
    %dma_start3A_4 = tpu.memref_slice %arg3[%mul3A_2] : memref<4096xi32, #tpu.memory_space<hbm>> -> memref<128xi32, #tpu.memory_space<hbm>>
    %dma_start3A_5 = tpu.memref_slice %arg3[%mul3A_2] : memref<4096xi32, #tpu.memory_space<hbm>> -> memref<128xi32, #tpu.memory_space<hbm>>
    tpu.enqueue_dma source(%dma_start3A_5 : memref<128xi32, #tpu.memory_space<hbm>>) target(%arg11 : memref<128xi32, #tpu.memory_space<vmem>>) target_semaphore(%arg16 : memref<!tpu.dma_semaphore, #tpu.memory_space<semaphore_mem>>)
    %dma_wait3A = tpu.memref_slice %arg2[%mul3A_2] : memref<4096xi32, #tpu.memory_space<hbm>> -> memref<128xi32, #tpu.memory_space<hbm>>
    %dma_wait3A_6 = tpu.memref_slice %arg2[%mul3A_2] : memref<4096xi32, #tpu.memory_space<hbm>> -> memref<128xi32, #tpu.memory_space<hbm>>
    tpu.wait_dma2 semaphore(%arg16 : memref<!tpu.dma_semaphore, #tpu.memory_space<semaphore_mem>>) src(%dma_wait3A_6 : memref<128xi32, #tpu.memory_space<hbm>>) dst(%arg10 : memref<128xi32, #tpu.memory_space<vmem>>)
    %dma_start3A_7 = arith.constant 0 : i32
    %dma_start3A_8 = arith.constant 0 : i32
    %dma_start3A_9 = tpu.memref_slice %arg4[%dma_start3A_7, %dma_start3A_8] : memref<100000x128xf32, #tpu.memory_space<hbm>> -> memref<100000x128xf32, #tpu.memory_space<hbm>>
    tpu.enqueue_indirect_dma source(%dma_start3A_9 : memref<100000x128xf32, #tpu.memory_space<hbm>>) target(%arg12 : memref<128x128xf32, #tpu.memory_space<vmem>>) offsets(%arg10 : memref<128xi32, #tpu.memory_space<vmem>>) semaphore(%arg16 : memref<!tpu.dma_semaphore, #tpu.memory_space<semaphore_mem>>)
    %dma_start3A_10 = arith.constant 0 : i32
    %dma_start3A_11 = arith.constant 0 : i32
    %dma_start3A_12 = tpu.memref_slice %arg5[%dma_start3A_10, %dma_start3A_11] : memref<100000x128xf32, #tpu.memory_space<hbm>> -> memref<100000x128xf32, #tpu.memory_space<hbm>>
    tpu.enqueue_indirect_dma source(%dma_start3A_12 : memref<100000x128xf32, #tpu.memory_space<hbm>>) target(%arg13 : memref<128x128xf32, #tpu.memory_space<vmem>>) offsets(%arg10 : memref<128xi32, #tpu.memory_space<vmem>>) semaphore(%arg16 : memref<!tpu.dma_semaphore, #tpu.memory_space<semaphore_mem>>)
    %dma_wait3A_13 = tpu.memref_slice %arg3[%mul3A_2] : memref<4096xi32, #tpu.memory_space<hbm>> -> memref<128xi32, #tpu.memory_space<hbm>>
    %dma_wait3A_14 = tpu.memref_slice %arg3[%mul3A_2] : memref<4096xi32, #tpu.memory_space<hbm>> -> memref<128xi32, #tpu.memory_space<hbm>>
    tpu.wait_dma2 semaphore(%arg16 : memref<!tpu.dma_semaphore, #tpu.memory_space<semaphore_mem>>) src(%dma_wait3A_14 : memref<128xi32, #tpu.memory_space<hbm>>) dst(%arg11 : memref<128xi32, #tpu.memory_space<vmem>>)
    %dma_start3A_15 = arith.constant 0 : i32
    %dma_start3A_16 = arith.constant 0 : i32
    %dma_start3A_17 = tpu.memref_slice %arg4[%dma_start3A_15, %dma_start3A_16] : memref<100000x128xf32, #tpu.memory_space<hbm>> -> memref<100000x128xf32, #tpu.memory_space<hbm>>
    tpu.enqueue_indirect_dma source(%dma_start3A_17 : memref<100000x128xf32, #tpu.memory_space<hbm>>) target(%arg14 : memref<128x128xf32, #tpu.memory_space<vmem>>) offsets(%arg11 : memref<128xi32, #tpu.memory_space<vmem>>) semaphore(%arg16 : memref<!tpu.dma_semaphore, #tpu.memory_space<semaphore_mem>>)
    %dma_start3A_18 = arith.constant 0 : i32
    %dma_start3A_19 = arith.constant 0 : i32
    %dma_start3A_20 = tpu.memref_slice %arg5[%dma_start3A_18, %dma_start3A_19] : memref<100000x128xf32, #tpu.memory_space<hbm>> -> memref<100000x128xf32, #tpu.memory_space<hbm>>
    tpu.enqueue_indirect_dma source(%dma_start3A_20 : memref<100000x128xf32, #tpu.memory_space<hbm>>) target(%arg15 : memref<128x128xf32, #tpu.memory_space<vmem>>) offsets(%arg11 : memref<128xi32, #tpu.memory_space<vmem>>) semaphore(%arg16 : memref<!tpu.dma_semaphore, #tpu.memory_space<semaphore_mem>>)
    %dma_wait3A_21 = arith.constant 0 : i32
    %dma_wait3A_22 = arith.constant 0 : i32
    %dma_wait3A_23 = tpu.memref_slice %arg4[%dma_wait3A_21, %dma_wait3A_22] : memref<100000x128xf32, #tpu.memory_space<hbm>> -> memref<100000x128xf32, #tpu.memory_space<hbm>>
    tpu.wait_indirect_dma semaphore(%arg16 : memref<!tpu.dma_semaphore, #tpu.memory_space<semaphore_mem>>) src(%dma_wait3A_23 : memref<100000x128xf32, #tpu.memory_space<hbm>>) dst(%arg12 : memref<128x128xf32, #tpu.memory_space<vmem>>)
    %dma_start3A_24 = arith.constant 0 : i32
    %dma_start3A_25 = tpu.memref_slice %arg6[%mul3A_2, %dma_start3A_24] : memref<4096x128xf32, #tpu.memory_space<hbm>> -> memref<128x128xf32, #tpu.memory_space<hbm>>
    %dma_start3A_26 = arith.constant 0 : i32
    %dma_start3A_27 = tpu.memref_slice %arg6[%mul3A_2, %dma_start3A_26] : memref<4096x128xf32, #tpu.memory_space<hbm>> -> memref<128x128xf32, #tpu.memory_space<hbm>>
    tpu.enqueue_dma source(%arg12 : memref<128x128xf32, #tpu.memory_space<vmem>>) target(%dma_start3A_27 : memref<128x128xf32, #tpu.memory_space<hbm>>) target_semaphore(%arg17 : memref<!tpu.dma_semaphore, #tpu.memory_space<semaphore_mem>>)
    %dma_wait3A_28 = arith.constant 0 : i32
    %dma_wait3A_29 = arith.constant 0 : i32
    %dma_wait3A_30 = tpu.memref_slice %arg5[%dma_wait3A_28, %dma_wait3A_29] : memref<100000x128xf32, #tpu.memory_space<hbm>> -> memref<100000x128xf32, #tpu.memory_space<hbm>>
    tpu.wait_indirect_dma semaphore(%arg16 : memref<!tpu.dma_semaphore, #tpu.memory_space<semaphore_mem>>) src(%dma_wait3A_30 : memref<100000x128xf32, #tpu.memory_space<hbm>>) dst(%arg13 : memref<128x128xf32, #tpu.memory_space<vmem>>)
    %dma_start3A_31 = arith.constant 0 : i32
    %dma_start3A_32 = tpu.memref_slice %arg7[%mul3A_2, %dma_start3A_31] : memref<4096x128xf32, #tpu.memory_space<hbm>> -> memref<128x128xf32, #tpu.memory_space<hbm>>
    %dma_start3A_33 = arith.constant 0 : i32
    %dma_start3A_34 = tpu.memref_slice %arg7[%mul3A_2, %dma_start3A_33] : memref<4096x128xf32, #tpu.memory_space<hbm>> -> memref<128x128xf32, #tpu.memory_space<hbm>>
    tpu.enqueue_dma source(%arg13 : memref<128x128xf32, #tpu.memory_space<vmem>>) target(%dma_start3A_34 : memref<128x128xf32, #tpu.memory_space<hbm>>) target_semaphore(%arg17 : memref<!tpu.dma_semaphore, #tpu.memory_space<semaphore_mem>>)
    %dma_wait3A_35 = arith.constant 0 : i32
    %dma_wait3A_36 = arith.constant 0 : i32
    %dma_wait3A_37 = tpu.memref_slice %arg4[%dma_wait3A_35, %dma_wait3A_36] : memref<100000x128xf32, #tpu.memory_space<hbm>> -> memref<100000x128xf32, #tpu.memory_space<hbm>>
    tpu.wait_indirect_dma semaphore(%arg16 : memref<!tpu.dma_semaphore, #tpu.memory_space<semaphore_mem>>) src(%dma_wait3A_37 : memref<100000x128xf32, #tpu.memory_space<hbm>>) dst(%arg14 : memref<128x128xf32, #tpu.memory_space<vmem>>)
    %dma_start3A_38 = arith.constant 0 : i32
    %dma_start3A_39 = tpu.memref_slice %arg8[%mul3A_2, %dma_start3A_38] : memref<4096x128xf32, #tpu.memory_space<hbm>> -> memref<128x128xf32, #tpu.memory_space<hbm>>
    %dma_start3A_40 = arith.constant 0 : i32
    %dma_start3A_41 = tpu.memref_slice %arg8[%mul3A_2, %dma_start3A_40] : memref<4096x128xf32, #tpu.memory_space<hbm>> -> memref<128x128xf32, #tpu.memory_space<hbm>>
    tpu.enqueue_dma source(%arg14 : memref<128x128xf32, #tpu.memory_space<vmem>>) target(%dma_start3A_41 : memref<128x128xf32, #tpu.memory_space<hbm>>) target_semaphore(%arg17 : memref<!tpu.dma_semaphore, #tpu.memory_space<semaphore_mem>>)
    %dma_wait3A_42 = arith.constant 0 : i32
    %dma_wait3A_43 = arith.constant 0 : i32
    %dma_wait3A_44 = tpu.memref_slice %arg5[%dma_wait3A_42, %dma_wait3A_43] : memref<100000x128xf32, #tpu.memory_space<hbm>> -> memref<100000x128xf32, #tpu.memory_space<hbm>>
    tpu.wait_indirect_dma semaphore(%arg16 : memref<!tpu.dma_semaphore, #tpu.memory_space<semaphore_mem>>) src(%dma_wait3A_44 : memref<100000x128xf32, #tpu.memory_space<hbm>>) dst(%arg15 : memref<128x128xf32, #tpu.memory_space<vmem>>)
    %dma_start3A_45 = arith.constant 0 : i32
    %dma_start3A_46 = tpu.memref_slice %arg9[%mul3A_2, %dma_start3A_45] : memref<4096x128xf32, #tpu.memory_space<hbm>> -> memref<128x128xf32, #tpu.memory_space<hbm>>
    %dma_start3A_47 = arith.constant 0 : i32
    %dma_start3A_48 = tpu.memref_slice %arg9[%mul3A_2, %dma_start3A_47] : memref<4096x128xf32, #tpu.memory_space<hbm>> -> memref<128x128xf32, #tpu.memory_space<hbm>>
    tpu.enqueue_dma source(%arg15 : memref<128x128xf32, #tpu.memory_space<vmem>>) target(%dma_start3A_48 : memref<128x128xf32, #tpu.memory_space<hbm>>) target_semaphore(%arg17 : memref<!tpu.dma_semaphore, #tpu.memory_space<semaphore_mem>>)
    %dma_wait3A_49 = arith.constant 0 : i32
    %dma_wait3A_50 = tpu.memref_slice %arg6[%mul3A_2, %dma_wait3A_49] : memref<4096x128xf32, #tpu.memory_space<hbm>> -> memref<128x128xf32, #tpu.memory_space<hbm>>
    %dma_wait3A_51 = arith.constant 0 : i32
    %dma_wait3A_52 = tpu.memref_slice %arg6[%mul3A_2, %dma_wait3A_51] : memref<4096x128xf32, #tpu.memory_space<hbm>> -> memref<128x128xf32, #tpu.memory_space<hbm>>
    tpu.wait_dma2 semaphore(%arg17 : memref<!tpu.dma_semaphore, #tpu.memory_space<semaphore_mem>>) src(%arg12 : memref<128x128xf32, #tpu.memory_space<vmem>>) dst(%dma_wait3A_52 : memref<128x128xf32, #tpu.memory_space<hbm>>)
    %dma_wait3A_53 = arith.constant 0 : i32
    %dma_wait3A_54 = tpu.memref_slice %arg7[%mul3A_2, %dma_wait3A_53] : memref<4096x128xf32, #tpu.memory_space<hbm>> -> memref<128x128xf32, #tpu.memory_space<hbm>>
    %dma_wait3A_55 = arith.constant 0 : i32
    %dma_wait3A_56 = tpu.memref_slice %arg7[%mul3A_2, %dma_wait3A_55] : memref<4096x128xf32, #tpu.memory_space<hbm>> -> memref<128x128xf32, #tpu.memory_space<hbm>>
    tpu.wait_dma2 semaphore(%arg17 : memref<!tpu.dma_semaphore, #tpu.memory_space<semaphore_mem>>) src(%arg13 : memref<128x128xf32, #tpu.memory_space<vmem>>) dst(%dma_wait3A_56 : memref<128x128xf32, #tpu.memory_space<hbm>>)
    %dma_wait3A_57 = arith.constant 0 : i32
    %dma_wait3A_58 = tpu.memref_slice %arg8[%mul3A_2, %dma_wait3A_57] : memref<4096x128xf32, #tpu.memory_space<hbm>> -> memref<128x128xf32, #tpu.memory_space<hbm>>
    %dma_wait3A_59 = arith.constant 0 : i32
    %dma_wait3A_60 = tpu.memref_slice %arg8[%mul3A_2, %dma_wait3A_59] : memref<4096x128xf32, #tpu.memory_space<hbm>> -> memref<128x128xf32, #tpu.memory_space<hbm>>
    tpu.wait_dma2 semaphore(%arg17 : memref<!tpu.dma_semaphore, #tpu.memory_space<semaphore_mem>>) src(%arg14 : memref<128x128xf32, #tpu.memory_space<vmem>>) dst(%dma_wait3A_60 : memref<128x128xf32, #tpu.memory_space<hbm>>)
    %dma_wait3A_61 = arith.constant 0 : i32
    %dma_wait3A_62 = tpu.memref_slice %arg9[%mul3A_2, %dma_wait3A_61] : memref<4096x128xf32, #tpu.memory_space<hbm>> -> memref<128x128xf32, #tpu.memory_space<hbm>>
    %dma_wait3A_63 = arith.constant 0 : i32
    %dma_wait3A_64 = tpu.memref_slice %arg9[%mul3A_2, %dma_wait3A_63] : memref<4096x128xf32, #tpu.memory_space<hbm>> -> memref<128x128xf32, #tpu.memory_space<hbm>>
    tpu.wait_dma2 semaphore(%arg17 : memref<!tpu.dma_semaphore, #tpu.memory_space<semaphore_mem>>) src(%arg15 : memref<128x128xf32, #tpu.memory_space<vmem>>) dst(%dma_wait3A_64 : memref<128x128xf32, #tpu.memory_space<hbm>>)
    return
  }
}

module attributes {stable_mosaic.version = 14 : i64} {
  func.func @_tc_rels_body(%arg0: i32, %arg1: memref<1024xi32, #tpu.memory_space<vmem>>, %arg2: memref<1024xf32, #tpu.memory_space<vmem>>, %arg3: memref<1x128xf32, #tpu.memory_space<vmem>>, %arg4: memref<512x128xf32, #tpu.memory_space<vmem>>, %arg5: memref<512x128xf32, #tpu.memory_space<vmem>>, %arg6: memref<1024x128xf32, #tpu.memory_space<vmem>>, %arg7: memref<1024x128xf32, #tpu.memory_space<vmem>>) attributes {dimension_semantics = [#tpu.dimension_semantics<arbitrary>], iteration_bounds = array<i64: 4>, scalar_prefetch = 0 : i64, scratch_operands = 0 : i64, tpu.core_type = #tpu.core_type<tc>, window_params = [{transform_indices = @transform_0, window_bounds = array<i64: 1024>}, {transform_indices = @transform_1, window_bounds = array<i64: 1024>}, {pipeline_mode = #tpu.pipeline_mode<synchronous>, transform_indices = @transform_2, window_bounds = array<i64: 1, 128>}, {pipeline_mode = #tpu.pipeline_mode<synchronous>, transform_indices = @transform_3, window_bounds = array<i64: 512, 128>}, {pipeline_mode = #tpu.pipeline_mode<synchronous>, transform_indices = @transform_4, window_bounds = array<i64: 512, 128>}, {transform_indices = @transform_5, window_bounds = array<i64: 1024, 128>}, {transform_indices = @transform_6, window_bounds = array<i64: 1024, 128>}]} {
    %get3A = arith.constant 0 : index
    %get3A_0 = vector.load %arg1[%get3A] : memref<1024xi32, #tpu.memory_space<vmem>>, vector<1024xi32>
    %reshape3A = vector.shape_cast %get3A_0 : vector<1024xi32> to vector<1024x1xi32>
    %get3A_1 = arith.constant 0 : index
    %get3A_2 = vector.load %arg2[%get3A_1] : memref<1024xf32, #tpu.memory_space<vmem>>, vector<1024xf32>
    %reshape3A_3 = vector.shape_cast %get3A_2 : vector<1024xf32> to vector<1024x1xf32>
    %get3A_4 = arith.constant 0 : index
    %get3A_5 = arith.constant 0 : index
    %get3A_6 = vector.load %arg3[%get3A_4, %get3A_5] : memref<1x128xf32, #tpu.memory_space<vmem>>, vector<1x128xf32>
    %get3A_7 = vector.shape_cast %get3A_6 : vector<1x128xf32> to vector<128xf32>
    %reshape3A_8 = vector.shape_cast %get3A_7 : vector<128xf32> to vector<1x128xf32>
    %mul3A = vector.broadcast %reshape3A_3 : vector<1024x1xf32> to vector<1024x128xf32>
    %mul3A_9 = vector.broadcast %reshape3A_8 : vector<1x128xf32> to vector<1024x128xf32>
    %mul3A_10 = arith.mulf %mul3A, %mul3A_9 : vector<1024x128xf32>
    %mul3A_11 = arith.constant 0.636619746 : f32
    %mul3A_12 = vector.broadcast %mul3A_11 : f32 to vector<1024x128xf32>
    %mul3A_13 = arith.mulf %mul3A_10, %mul3A_12 : vector<1024x128xf32>
    %add3A = arith.constant 5.000000e-01 : f32
    %add3A_14 = vector.broadcast %add3A : f32 to vector<1024x128xf32>
    %add3A_15 = arith.addf %mul3A_13, %add3A_14 : vector<1024x128xf32>
    %convert_element_type3A = arith.fptosi %add3A_15 : vector<1024x128xf32> to vector<1024x128xi32>
    %convert_element_type3A_16 = arith.sitofp %convert_element_type3A : vector<1024x128xi32> to vector<1024x128xf32>
    %mul3A_17 = arith.constant 1.57079637 : f32
    %mul3A_18 = vector.broadcast %mul3A_17 : f32 to vector<1024x128xf32>
    %mul3A_19 = arith.mulf %convert_element_type3A_16, %mul3A_18 : vector<1024x128xf32>
    %sub3A = arith.subf %mul3A_10, %mul3A_19 : vector<1024x128xf32>
    %mul3A_20 = arith.constant 6.12323426E-17 : f32
    %mul3A_21 = vector.broadcast %mul3A_20 : f32 to vector<1024x128xf32>
    %mul3A_22 = arith.mulf %convert_element_type3A_16, %mul3A_21 : vector<1024x128xf32>
    %sub3A_23 = arith.subf %sub3A, %mul3A_22 : vector<1024x128xf32>
    %mul3A_24 = arith.mulf %sub3A_23, %sub3A_23 : vector<1024x128xf32>
    %mul3A_25 = arith.constant -1.95152956E-4 : f32
    %mul3A_26 = vector.broadcast %mul3A_25 : f32 to vector<1024x128xf32>
    %mul3A_27 = arith.mulf %mul3A_24, %mul3A_26 : vector<1024x128xf32>
    %add3A_28 = arith.constant 0.00833216123 : f32
    %add3A_29 = vector.broadcast %add3A_28 : f32 to vector<1024x128xf32>
    %add3A_30 = arith.addf %add3A_29, %mul3A_27 : vector<1024x128xf32>
    %mul3A_31 = arith.mulf %mul3A_24, %add3A_30 : vector<1024x128xf32>
    %add3A_32 = arith.constant -0.166666552 : f32
    %add3A_33 = vector.broadcast %add3A_32 : f32 to vector<1024x128xf32>
    %add3A_34 = arith.addf %add3A_33, %mul3A_31 : vector<1024x128xf32>
    %mul3A_35 = arith.mulf %mul3A_24, %add3A_34 : vector<1024x128xf32>
    %mul3A_36 = arith.mulf %sub3A_23, %mul3A_35 : vector<1024x128xf32>
    %add3A_37 = arith.addf %sub3A_23, %mul3A_36 : vector<1024x128xf32>
    %mul3A_38 = arith.constant -0.00138873165 : f32
    %mul3A_39 = vector.broadcast %mul3A_38 : f32 to vector<1024x128xf32>
    %mul3A_40 = arith.mulf %mul3A_24, %mul3A_39 : vector<1024x128xf32>
    %add3A_41 = arith.constant 0.0416666456 : f32
    %add3A_42 = vector.broadcast %add3A_41 : f32 to vector<1024x128xf32>
    %add3A_43 = arith.addf %add3A_42, %mul3A_40 : vector<1024x128xf32>
    %mul3A_44 = arith.mulf %mul3A_24, %add3A_43 : vector<1024x128xf32>
    %add3A_45 = arith.constant -5.000000e-01 : f32
    %add3A_46 = vector.broadcast %add3A_45 : f32 to vector<1024x128xf32>
    %add3A_47 = arith.addf %add3A_46, %mul3A_44 : vector<1024x128xf32>
    %mul3A_48 = arith.mulf %mul3A_24, %add3A_47 : vector<1024x128xf32>
    %add3A_49 = arith.constant 1.000000e+00 : f32
    %add3A_50 = vector.broadcast %add3A_49 : f32 to vector<1024x128xf32>
    %add3A_51 = arith.addf %add3A_50, %mul3A_48 : vector<1024x128xf32>
    %and3A = arith.constant 3 : i32
    %and3A_52 = vector.broadcast %and3A : i32 to vector<1024x128xi32>
    %and3A_53 = arith.andi %convert_element_type3A, %and3A_52 : vector<1024x128xi32>
    %neg3A = arith.constant 0.000000e+00 : f32
    %neg3A_54 = vector.broadcast %neg3A : f32 to vector<1024x128xf32>
    %neg3A_55 = arith.subf %neg3A_54, %add3A_37 : vector<1024x128xf32>
    %neg3A_56 = arith.constant 0.000000e+00 : f32
    %neg3A_57 = vector.broadcast %neg3A_56 : f32 to vector<1024x128xf32>
    %neg3A_58 = arith.subf %neg3A_57, %add3A_51 : vector<1024x128xf32>
    %eq3A = arith.constant 0 : i32
    %eq3A_59 = vector.broadcast %eq3A : i32 to vector<1024x128xi32>
    %eq3A_60 = arith.cmpi eq, %and3A_53, %eq3A_59 : vector<1024x128xi32>
    %eq3A_61 = arith.constant 1 : i32
    %eq3A_62 = vector.broadcast %eq3A_61 : i32 to vector<1024x128xi32>
    %eq3A_63 = arith.cmpi eq, %and3A_53, %eq3A_62 : vector<1024x128xi32>
    %eq3A_64 = arith.constant 2 : i32
    %eq3A_65 = vector.broadcast %eq3A_64 : i32 to vector<1024x128xi32>
    %eq3A_66 = arith.cmpi eq, %and3A_53, %eq3A_65 : vector<1024x128xi32>
    %select_n3A = arith.select %eq3A_66, %neg3A_55, %neg3A_58 : vector<1024x128xi1>, vector<1024x128xf32>
    %select_n3A_67 = arith.select %eq3A_63, %add3A_51, %select_n3A : vector<1024x128xi1>, vector<1024x128xf32>
    %select_n3A_68 = arith.select %eq3A_60, %add3A_37, %select_n3A_67 : vector<1024x128xi1>, vector<1024x128xf32>
    %eq3A_69 = arith.constant 0 : i32
    %eq3A_70 = vector.broadcast %eq3A_69 : i32 to vector<1024x128xi32>
    %eq3A_71 = arith.cmpi eq, %and3A_53, %eq3A_70 : vector<1024x128xi32>
    %eq3A_72 = arith.constant 1 : i32
    %eq3A_73 = vector.broadcast %eq3A_72 : i32 to vector<1024x128xi32>
    %eq3A_74 = arith.cmpi eq, %and3A_53, %eq3A_73 : vector<1024x128xi32>
    %eq3A_75 = arith.constant 2 : i32
    %eq3A_76 = vector.broadcast %eq3A_75 : i32 to vector<1024x128xi32>
    %eq3A_77 = arith.cmpi eq, %and3A_53, %eq3A_76 : vector<1024x128xi32>
    %select_n3A_78 = arith.select %eq3A_77, %neg3A_58, %add3A_37 : vector<1024x128xi1>, vector<1024x128xf32>
    %select_n3A_79 = arith.select %eq3A_74, %neg3A_55, %select_n3A_78 : vector<1024x128xi1>, vector<1024x128xf32>
    %select_n3A_80 = arith.select %eq3A_71, %add3A_51, %select_n3A_79 : vector<1024x128xi1>, vector<1024x128xf32>
    %iota3A = tpu.iota {dimensions = array<i32: 1>} : vector<1024x512xi32>
    %eq3A_81 = vector.broadcast %reshape3A : vector<1024x1xi32> to vector<1024x512xi32>
    %eq3A_82 = arith.cmpi eq, %eq3A_81, %iota3A : vector<1024x512xi32>
    %convert_element_type3A_83 = arith.extui %eq3A_82 : vector<1024x512xi1> to vector<1024x512xi32>
    %convert_element_type3A_84 = arith.sitofp %convert_element_type3A_83 : vector<1024x512xi32> to vector<1024x512xf32>
    %get3A_85 = arith.constant 0 : index
    %get3A_86 = arith.constant 0 : index
    %get3A_87 = vector.load %arg4[%get3A_85, %get3A_86] : memref<512x128xf32, #tpu.memory_space<vmem>>, vector<512x128xf32>
    %dot_general3A = arith.constant dense<0.000000e+00> : vector<1024x128xf32>
    %dot_general3A_88 = tpu.matmul %convert_element_type3A_84, %get3A_87, %dot_general3A {dimension_numbers = #tpu.dot_dimension_numbers<[1], [0], [0], [1], [0, 0, 1, 1], [], []>, transpose_lhs_hint = false} : vector<1024x512xf32>, vector<512x128xf32>, vector<1024x128xf32> -> vector<1024x128xf32>
    %get3A_89 = arith.constant 0 : index
    %get3A_90 = arith.constant 0 : index
    %get3A_91 = vector.load %arg5[%get3A_89, %get3A_90] : memref<512x128xf32, #tpu.memory_space<vmem>>, vector<512x128xf32>
    %dot_general3A_92 = arith.constant dense<0.000000e+00> : vector<1024x128xf32>
    %dot_general3A_93 = tpu.matmul %convert_element_type3A_84, %get3A_91, %dot_general3A_92 {dimension_numbers = #tpu.dot_dimension_numbers<[1], [0], [0], [1], [0, 0, 1, 1], [], []>, transpose_lhs_hint = false} : vector<1024x512xf32>, vector<512x128xf32>, vector<1024x128xf32> -> vector<1024x128xf32>
    %mul3A_94 = arith.mulf %select_n3A_80, %dot_general3A_88 : vector<1024x128xf32>
    %mul3A_95 = arith.mulf %select_n3A_68, %dot_general3A_93 : vector<1024x128xf32>
    %sub3A_96 = arith.subf %mul3A_94, %mul3A_95 : vector<1024x128xf32>
    %swap3A = arith.constant 0 : index
    %swap3A_97 = arith.constant 0 : index
    %swap3A_98 = vector.load %arg6[%swap3A, %swap3A_97] : memref<1024x128xf32, #tpu.memory_space<vmem>>, vector<1024x128xf32>
    tpu.vector_store %arg6[%swap3A, %swap3A_97], %sub3A_96 {strides = array<i32>} : memref<1024x128xf32, #tpu.memory_space<vmem>>, vector<1024x128xf32>,
    %mul3A_99 = arith.mulf %select_n3A_80, %dot_general3A_93 : vector<1024x128xf32>
    %mul3A_100 = arith.mulf %select_n3A_68, %dot_general3A_88 : vector<1024x128xf32>
    %add3A_101 = arith.addf %mul3A_99, %mul3A_100 : vector<1024x128xf32>
    %swap3A_102 = arith.constant 0 : index
    %swap3A_103 = arith.constant 0 : index
    %swap3A_104 = vector.load %arg7[%swap3A_102, %swap3A_103] : memref<1024x128xf32, #tpu.memory_space<vmem>>, vector<1024x128xf32>
    tpu.vector_store %arg7[%swap3A_102, %swap3A_103], %add3A_101 {strides = array<i32>} : memref<1024x128xf32, #tpu.memory_space<vmem>>, vector<1024x128xf32>,
    return
  }
  func.func @transform_0(%arg0: i32) -> i32 {
    %c0_i32 = arith.constant 0 : i32
    return %arg0 : i32
  }
  func.func @transform_1(%arg0: i32) -> i32 {
    %c0_i32 = arith.constant 0 : i32
    return %arg0 : i32
  }
  func.func @transform_2(%arg0: i32) -> (i32, i32) {
    %c0_i32 = arith.constant 0 : i32
    %c0_i32_0 = arith.constant 0 : i32
    %c0_i32_1 = arith.constant 0 : i32
    return %c0_i32, %c0_i32_0 : i32, i32
  }
  func.func @transform_3(%arg0: i32) -> (i32, i32) {
    %c0_i32 = arith.constant 0 : i32
    %c0_i32_0 = arith.constant 0 : i32
    %c0_i32_1 = arith.constant 0 : i32
    return %c0_i32, %c0_i32_0 : i32, i32
  }
  func.func @transform_4(%arg0: i32) -> (i32, i32) {
    %c0_i32 = arith.constant 0 : i32
    %c0_i32_0 = arith.constant 0 : i32
    %c0_i32_1 = arith.constant 0 : i32
    return %c0_i32, %c0_i32_0 : i32, i32
  }
  func.func @transform_5(%arg0: i32) -> (i32, i32) {
    %c0_i32 = arith.constant 0 : i32
    %c0_i32_0 = arith.constant 0 : i32
    return %arg0, %c0_i32 : i32, i32
  }
  func.func @transform_6(%arg0: i32) -> (i32, i32) {
    %c0_i32 = arith.constant 0 : i32
    %c0_i32_0 = arith.constant 0 : i32
    return %arg0, %c0_i32 : i32, i32
  }
}

</mosaic_0001>

<sc_bundles>
// kernel: kernel.4.cloned.1.call-start
scs
__scs_entry_jumppad:
0x0: {  	(pc) =	sbr.rel $0x88, $3  }
0x1: {  	(tag) =	ssettag $0x0;
	lr =	simm.s32 $0x1  }
0x2: {  	[smem:$0x3F98] =	sst lr;
	_ =	strace $0xD0000000  }
0x3: {  	_ = 	snop  }
0x4: {  	_ = 	snop  }
0x5: {  	_ = 	snop  }
0x6: {  	_ = 	snop  }
0x7: {  	_ = 	snop  }
__scs_overlays_trampoline_lowered:
0x8: {  	[smem:$0x3FA7] =	sst s0  }
0x9: {  	[smem:$0x3FA8] =	sst s1  }
0xa: {  	[smem:$0x3FA9] =	sst s2  }
0xb: {  	[smem:$0x3FAA] =	sst s3  }
0xc: {  	[smem:$0x3FAB] =	sst s4  }
0xd: {  	[smem:$0x3FAC] =	sst s5  }
0xe: {  	[smem:$0x3FAD] =	sst s6  }
0xf: {  	[smem:$0x3FAE] =	sst s7  }
0x10: {  	[smem:$0x3FAF] =	sst s8  }
0x11: {  	[smem:$0x3FB0] =	sst s9;
	s0 =	simm.s32 @!p0 $0x0  }
0x12: {  	s1 =	sld [smem:$0x3F96];
	s0 =	simm.s32 @p0 $0x1  }
0x13: {  	[smem:$0x3FB1] =	sst s0;
	s0 =	simm.s32 @!p1 $0x0  }
0x14: {  	s2 =	sld [smem:$0x3F95];
	s0 =	simm.s32 @p1 $0x1  }
0x15: {  	[smem:$0x3FB2] =	sst s0;
	s0 =	simm.s32 @!p2 $0x0  }
0x16: {  	s3 =	sld [smem:$0x3FDB];
	s0 =	simm.s32 @p2 $0x1  }
0x17: {  	s4 =	simm.s32 $0x1BF5;
	[smem:$0x3FB4] =	sst s0  }
0x18: {  	s0 =	sld [smem:$0x3F97];
	_ =	swait.ge [sflag:s4], $0x0  }
0x19: {  	s7 =	sld [smem:$0x3F98]  }
0x1a: {  	s8 =	sadd.s32 $0xFFFFE003, lr  }
0x1b: {  	s9 =	sadd.s32 $0xFFFFFEF7, lr;
	s5 =	simm.s32 $0xFFFFFFFF;
	p2 =	slt.u32 s8, $0xFFFFF086  }
0x1c: {  	p1 =	slt.u32 s9, $0xF7A;
	s5 =	simm.s32 @!p2 $0x0  }
0x1d: {  	s5 =	simm.s32 @p1 $0x1;
	p0 =	seq.s32 s7, s2  }
0x1e: {  	s7 =	smul.u32 @!p0 $0xF7A, s2;
	p2 =	seq.s32 @!p0 s5, $0x0  }
0x1f: {  	s9 =	smul.u32 $0xF7A, s1;
	s8 =	simm.s32 @!p0 $0x1BF5;
	p2 =	por !p2, p0  }
0x20: {  	[sflag:s8] =	ssyncset.s32 @!p0 $0xFFFFF086;
	s6 =	sadd.s32 @!p0 s3, s7;
	s7 =	simm.s32 @!p0 $0x108  }
0x21: {  	s3 =	sadd.s32 s3, s9;
	s6 =	sadd.s32 @!p0 $0x88, s6;
	s7 =	simm.s32 @p2 $0x1082  }
0x22: {  	[simem:s7], [sflag:s8] =	dma.local @!p0 [hbm:s6], $0xF7A  }
0x23: {  	s9 =	sor.u32 $0xD0000000, s2;
	s6 =	simm.s32 $0x108;
	_ =	swait.ge @!p0 [sflag:s8], $0x0  }
0x24: {  	s3 =	sadd.s32 $0x88, s3;
	s6 =	simm.s32 @!p1 $0x1082;
	[sflag:s4] =	ssyncset.s32 $0xFFFFF086  }
0x25: {  	[simem:s6], [sflag:s4] =	dma.local [hbm:s3], $0xF7A  }
0x26: {  	[smem:$0x3F98] =	sst s1;
	(tag) =	ssettag s2;
	_ =	strace s9  }
0x27: {  	s1 =	sld [smem:$0x3FA8]  }
0x28: {  	s2 =	sld [smem:$0x3FA9]  }
0x29: {  	s4 =	sld [smem:$0x3FAB]  }
0x2a: {  	p0 =	seq.s32 s5, $0x0;
	s5 =	sld [smem:$0x3FAC]  }
0x2b: {  	s6 =	sld [smem:$0x3FAD]  }
0x2c: {  	s7 =	sld [smem:$0x3FAE]  }
0x2d: {  	s3 =	simm.s32 $0x108;
	s8 =	sld [smem:$0x3FAF]  }
0x2e: {  	s3 =	simm.s32 @!p0 $0x1082;
	s9 =	sld [smem:$0x3FB0]  }
0x2f: {  	lr =	sadd.s32 s0, s3;
	s0 =	sld [smem:$0x3FA7]  }
0x30: {  	s3 =	sld [smem:$0x3FAA]  }
0x31: {  	[smem:$0x3FB3] =	sst s10  }
0x32: {  	s10 =	sld [smem:$0x3FB1];
	_ =	sdelay $0x3  }
0x33: {  	p0 =	seq.s32 s10, $0x1;
	s10 =	sld [smem:$0x3FB3];
	_ =	sdelay $0x3  }
0x34: {  	[smem:$0x3FB3] =	sst s10  }
0x35: {  	s10 =	sld [smem:$0x3FB2];
	_ =	sdelay $0x3  }
0x36: {  	p1 =	seq.s32 s10, $0x1;
	s10 =	sld [smem:$0x3FB3];
	_ =	sdelay $0x3  }
0x37: {  	[smem:$0x3FB3] =	sst s10  }
0x38: {  	s10 =	sld [smem:$0x3FB4]  }
0x39: {  	_ = 	snop;
	(pc) =	sbr.ind lr, $3  }
0x3a: {  	_ = 	snop  }
0x3b: {  	_ = 	snop  }
0x3c: {  	p2 =	seq.s32 s10, $0x1;
	s10 =	sld [smem:$0x3FB3]  }
0x3d: {  	_ =	shalt  }
0x3e: {  	_ =	shalt  }
0x3f: {  	_ =	shalt  }
0x40: {  	_ =	shalt  }
0x41: {  	_ =	shalt  }
0x42: {  	_ =	shalt  }
0x43: {  	_ =	shalt  }
0x44: {  	_ =	shalt  }
0x45: {  	_ =	shalt  }
0x46: {  	_ =	shalt  }
0x47: {  	_ =	shalt  }
0x48: {  	_ =	shalt  }
0x49: {  	_ =	shalt  }
0x4a: {  	_ =	shalt  }
0x4b: {  	_ =	shalt  }
0x4c: {  	_ =	shalt  }
0x4d: {  	_ =	shalt  }
0x4e: {  	_ =	shalt  }
0x4f: {  	_ =	shalt  }
0x50: {  	_ =	shalt  }
0x51: {  	_ =	shalt  }
0x52: {  	_ =	shalt  }
0x53: {  	_ =	shalt  }
0x54: {  	_ =	shalt  }
0x55: {  	_ =	shalt  }
0x56: {  	_ =	shalt  }
0x57: {  	_ =	shalt  }
0x58: {  	_ =	shalt  }
0x59: {  	_ =	shalt  }
0x5a: {  	_ =	shalt  }
0x5b: {  	_ =	shalt  }
0x5c: {  	_ =	shalt  }
0x5d: {  	_ =	shalt  }
0x5e: {  	_ =	shalt  }
0x5f: {  	_ =	shalt  }
0x60: {  	_ =	shalt  }
0x61: {  	_ =	shalt  }
0x62: {  	_ =	shalt  }
0x63: {  	_ =	shalt  }
0x64: {  	_ =	shalt  }
0x65: {  	_ =	shalt  }
0x66: {  	_ =	shalt  }
0x67: {  	_ =	shalt  }
0x68: {  	_ =	shalt  }
0x69: {  	_ =	shalt  }
0x6a: {  	_ =	shalt  }
0x6b: {  	_ =	shalt  }
0x6c: {  	_ =	shalt  }
0x6d: {  	_ =	shalt  }
0x6e: {  	_ =	shalt  }
0x6f: {  	_ =	shalt  }
0x70: {  	_ =	shalt  }
0x71: {  	_ =	shalt  }
0x72: {  	_ =	shalt  }
0x73: {  	_ =	shalt  }
0x74: {  	_ =	shalt  }
0x75: {  	_ =	shalt  }
0x76: {  	_ =	shalt  }
0x77: {  	_ =	shalt  }
0x78: {  	_ =	shalt  }
0x79: {  	_ =	shalt  }
0x7a: {  	_ =	shalt  }
0x7b: {  	_ =	shalt  }
0x7c: {  	_ =	shalt  }
0x7d: {  	_ =	shalt  }
0x7e: {  	_ =	shalt  }
0x7f: {  	_ =	shalt  }
0x80: {  	_ =	shalt  }
0x81: {  	_ =	shalt  }
0x82: {  	_ =	shalt  }
0x83: {  	_ =	shalt  }
0x84: {  	_ =	shalt  }
0x85: {  	_ =	shalt  }
0x86: {  	_ =	shalt  }
0x87: {  	_ =	shalt  }
.Lfunc_end0:
.L_simem_size_0:
called_computation_lowered:
.L_overlay_start_0:
0x88: {  	s2 =	sld [smem:$0x3FD9]  }
0x89: {  	s3 =	sld [smem:$0x3FFE];
	_ =	sdelay $0x1  }
0x8a: {  	s1 =	srdreg.scid  }
0x8b: {  	s0 =	sand.u32 $0x1, s1  }
0x8c: {  	s15 =	sshll.u32 s0, $0xA;
	s2 =	sadd.s32 s3, s2  }
0x8d: {  	s2 =	sadd.s32 s2, s15  }
0x8e: {  	[smem:$0x3FBF] =	sst s2  }
0x8f: {  	_ = 	snop  }
0x90: {  	s2 =	sld [smem:$0x3FC9]  }
0x91: {  	s16 =	sld [smem:$0x3FD0]  }
0x92: {  	s4 =	sld [smem:$0x3FC7]  }
0x93: {  	s5 =	sld [smem:$0x3FC5]  }
0x94: {  	s7 =	simm.s32 $0xA;
	s8 =	simm.s32 $0x10;
	s6 =	sld [smem:$0x3FC4]  }
0x95: {  	[smem:s8], [sflag:s7] =	dma.local [hbm:s16], $0x1  }
0x96: {  	_ =	swait.eq [sflag:s7], $0x1  }
0x97: {  	s17 =	sld [smem:$0x10]  }
0x98: {  	s18 =	sld [smem:$0x12];
	[sflag:s7] =	ssyncset.done $0x0  }
0x99: {  	s9 =	sld [smem:$0x13];
	[sflag:s7] =	ssyncadd.s32 $0xFFFFFFFF  }
0x9a: {  	s19 =	sld [smem:$0x15];
	(tm) =	ssettm $0x1  }
0x9b: {  	s10 =	sld [smem:$0x3FFB];
	_ =	sdelay $0x3  }
0x9c: {  	_ =	strace s10  }
0x9d: {  	s10 =	sld [smem:$0x3FFC];
	_ =	sdelay $0x3  }
0x9e: {  	_ =	strace s10  }
0x9f: {  	s10 =	sld [smem:$0x3FFD];
	_ =	sdelay $0x3  }
0xa0: {  	_ =	strace s10  }
0xa1: {  	_ =	strace $0x8FFFFFFF  }
0xa2: {  	s20 =	sld [smem:$0x3FDB];
	_ =	sdelay $0x1  }
0xa3: {  	s11 =	simm.s32 $_scs_section_size  }
0xa4: {  	s12 =	simm.s32 $_size__tile_overlayer_lowered;
	s13 =	simm.s32 $_tile_overlayer_lowered  }
0xa5: {  	s23 =	simm.s32 $0x1BFF;
	s22 =	sshll.u32 s13, $0x1;
	s10 =	sadd.s32 s11, s20  }
0xa6: {  	s14 =	simm.s32 $0x0;
	s21 =	sshll.u32 s12, $0x1;
	s12 =	sadd.s32 s22, s10  }
0xa7: {  	[timem:s14], [sflag:s23] =	dma.local [hbm:s12], s21  }
0xa8: {  	_ =	swait.ge [sflag:s23], s21  }
0xa9: {  	s11 =	ssub.s32 $0x0, s21;
	[sflag:s23] =	ssyncset.done $0x0  }
0xaa: {  	[sflag:s23] =	ssyncadd.s32 s11;
	_ =	sdelay $0x1  }
0xab: {  	s24 =	simm.s32 $0x1B8B  }
0xac: {  	_ =	swait.ge [sflag:s24], $0x1  }
0xad: {  	[sflag:s24] =	ssyncset.done $0x0  }
0xae: {  	s25 =	simm.s32 $0x1B8E;
	[sflag:s24] =	ssyncadd.s32 $0xFFFFFFFF  }
0xaf: {  	s26 =	simm.s32 $execute0_lowered;
	[smem:$0x3FD2] =	sst s25  }
0xb0: {  	s11 =	sshll.u32 s26, $0x1;
	_ =	strace $0x80000046;
	[dreg:$0x1] =	wrdreg $0xFFFFFFFF  }
0xb1: {  	s28 =	simm.s32 $_size_execute0_lowered;
	s10 =	sadd.s32 s10, s11;
	[dreg:$0x0] =	wrdreg $0x0  }
0xb2: {  	s11 =	sshll.u32 s28, $0x1;
	[dreg:$0x2] =	wrdreg s10  }
0xb3: {  	[dreg:$0x3] =	wrdreg s11  }
0xb4: {  	[dreg:$0x4] =	wrdreg $0xC0  }
0xb5: {  	_ =	task [dreg:s14], $0x5FFFF  }
0xb6: {  	[dreg:$0x1] =	wrdreg $0xFFFFFFFF  }
0xb7: {  	[dreg:$0x0] =	wrdreg $0x60  }
0xb8: {  	[dreg:$0x2] =	wrdreg s2  }
0xb9: {  	[dreg:$0x3] =	wrdreg s4  }
0xba: {  	[dreg:$0x4] =	wrdreg s5  }
0xbb: {  	[dreg:$0x5] =	wrdreg s6  }
0xbc: {  	[dreg:$0x6] =	wrdreg s17  }
0xbd: {  	[dreg:$0x7] =	wrdreg s9  }
0xbe: {  	[dreg:$0x8] =	wrdreg s18  }
0xbf: {  	[dreg:$0x9] =	wrdreg s19  }
0xc0: {  	[dreg:$0xa] =	wrdreg $0x9  }
0xc1: {  	_ =	task.clear_ibuf [dreg:s14], $0xBFFFF;
	_ =	strace $0x90000046  }
0xc2: {  	s29 =	simm.s32 $0x9;
	_ =	strace $0x80000048  }
0xc3: {  	_ =	swait.ge [sflag:s29], $0x1  }
0xc4: {  	[sflag:s29] =	ssyncadd.s32 $0xFFFFFFFF  }
0xc5: {  	_ =	strace $0x90000048  }
0xc6: {  	_ =	sfence  }
0xc7: {  	s30 =	sld [smem:$0x0];
	_ =	sdelay $0x2  }
0xc8: {  	s31 =	sshll.u32 s1, $0xD;
	s1 =	sshrl.u32 s1, $0x2  }
0xc9: {  	s3 =	sand.u32 $0x4000, s31;
	s1 =	sadd.s32 s1, s30  }
0xca: {  	s0 =	sor.u32 s3, s0;
	s1 =	sshll.u32 s1, $0x11  }
0xcb: {  	s0 =	sor.u32 s1, s0  }
0xcc: {  	s0 =	sadd.s32 $0x8F2B, s0  }
0xcd: {  	[sflag:s0] =	ssyncadd.remote.s32 $0x1  }
0xce: {  	_ =	sfence.sel $0xFFFF  }
0xcf: {  	[dreg:$0x0] =	wrdreg $0xFFFFFFFF;
	(pc) =	sbr.abs _section_cstart, $3  }
0xd0: {  	[dreg:$0x1] =	wrdreg $0xFFFFFFFF  }
0xd1: {  	_ =	task.clear_ibuf [dreg:s14], $0x2FFFF;
	_ =	strace $0x9FFFFFFF  }
0xd2: {  	(tm) =	ssettm $0x7FFFFFFF  }
0xd3: {  	_ =	shalt  }
tec
execute0_lowered:
.L_overlay_start_1:
0x0: {  	(tag) =	ssettag $0x1  }
0x1: {  	s5 =	rddreg [dreg:$0x0]  }
0x2: {  	s6 =	rddreg [dreg:$0x1]  }
0x3: {  	s0 =	rddreg [dreg:$0x2]  }
0x4: {  	s2 =	rddreg [dreg:$0x3]  }
0x5: {  	s13 =	rddreg [dreg:$0x4];
	s3 =	srdreg.scid  }
0x6: {  	s14 =	rddreg [dreg:$0x5];
	s1 =	stileid.u32;
	s18 =	sand.u32 $0x1, s3  }
0x7: {  	s15 =	rddreg [dreg:$0x6];
	s7 =	sshll.u32 s1, $0x8;
	s8 =	sshll.u32 s18, $0x7  }
0x8: {  	s16 =	rddreg [dreg:$0x7];
	s4 =	simm.s32 $0x0;
	s17 =	sor.u32 s8, s7  }
0x9: {  	[smem:$0x7FF] =	sst s4;
	s7 =	sshrl.u32 s17, $0x3  }
0xa: {  	s3 =	rddreg [dreg:$0x8];
	_ =	strace $0x80000047;
	s5 =	sadd.s32 s5, s7  }
0xb: {  	[tilespmem:s4], [sflag:$0x1] =	stream.linear.gather [hbm4b:s5+s4], $0x80, $0x38;
	[tilespmem:$0x10100] =	vst v63  }
0xc: {  	s8 =	simm.s32 $0x1;
	s6 =	sadd.s32 s6, s7;
	s7 =	simm.s32 $0x80  }
0xd: {  	[tilespmem:s7], [sflag:$0x1] =	stream.linear.gather [hbm4b:s6+s4], $0x80, $0x38;
	[tilespmem:$0x10100] =	vst v63  }
0xe: {  	_ =	swait.ge [sflag:s8], $0x80  }
0xf: {  	[sflag:s8] =	ssyncset.done $0x0  }
0x10: {  	s9 =	simm.s32 $0x100;
	[sflag:s8] =	ssyncadd.s32 $0xFFFFFF80  }
0x11: {  	[tilespmem:s9], [sflag:$0x1] =	stream.indirect.gather [hbm4b:s0+s7], $0x80, s4, s7, $0xb8;
	[tilespmem:$0x10100] =	vst v63  }
0x12: {  	s10 =	simm.s32 $0x4100  }
0x13: {  	[tilespmem:s10], [sflag:$0x1] =	stream.indirect.gather [hbm4b:s2+s7], $0x80, s4, s7, $0xb8;
	[tilespmem:$0x10100] =	vst v63  }
0x14: {  	_ =	swait.ge [sflag:s8], $0x80  }
0x15: {  	[sflag:s8] =	ssyncset.done $0x0  }
0x16: {  	s11 =	simm.s32 $0x8100;
	[sflag:s8] =	ssyncadd.s32 $0xFFFFFF80  }
0x17: {  	[tilespmem:s11], [sflag:$0x1] =	stream.indirect.gather [hbm4b:s0+s7], $0x80, s7, s7, $0xb8;
	[tilespmem:$0x10100] =	vst v63  }
0x18: {  	s12 =	simm.s32 $0xC100  }
0x19: {  	[tilespmem:s12], [sflag:$0x1] =	stream.indirect.gather [hbm4b:s2+s7], $0x80, s7, s7, $0xb8;
	[tilespmem:$0x10100] =	vst v63  }
0x1a: {  	_ =	swait.ge [sflag:s8], $0x4000  }
0x1b: {  	s17 =	sshll.u32 s17, $0x4;
	[sflag:s8] =	ssyncset.done $0x0  }
0x1c: {  	s13 =	sadd.s32 s13, s17;
	[sflag:s8] =	ssyncadd.s32 $0xFFFFC000  }
0x1d: {  	[hbm4b:s13+s4] =	stream.linear.scatter [tilespmem:s9], [sflag:$0x2], $0x4000, $0x38;
	[tilespmem:$0x10100] =	vst v63  }
0x1e: {  	_ =	swait.ge [sflag:s8], $0x4000  }
0x1f: {  	[sflag:s8] =	ssyncset.done $0x0  }
0x20: {  	s14 =	sadd.s32 s14, s17;
	[sflag:s8] =	ssyncadd.s32 $0xFFFFC000  }
0x21: {  	[hbm4b:s14+s4] =	stream.linear.scatter [tilespmem:s10], [sflag:$0x2], $0x4000, $0x38;
	[tilespmem:$0x10100] =	vst v63  }
0x22: {  	_ =	swait.ge [sflag:s8], $0x4000  }
0x23: {  	[sflag:s8] =	ssyncset.done $0x0  }
0x24: {  	s15 =	sadd.s32 s15, s17;
	[sflag:s8] =	ssyncadd.s32 $0xFFFFC000  }
0x25: {  	[hbm4b:s15+s4] =	stream.linear.scatter [tilespmem:s11], [sflag:$0x2], $0x4000, $0x38;
	[tilespmem:$0x10100] =	vst v63  }
0x26: {  	_ =	swait.ge [sflag:s8], $0x4000  }
0x27: {  	[sflag:s8] =	ssyncset.done $0x0  }
0x28: {  	s17 =	sadd.s32 s16, s17;
	s16 =	simm.s32 $0x2;
	[sflag:s8] =	ssyncadd.s32 $0xFFFFC000  }
0x29: {  	[hbm4b:s17+s4] =	stream.linear.scatter [tilespmem:s12], [sflag:$0x2], $0x4000, $0x38;
	[tilespmem:$0x10100] =	vst v63  }
0x2a: {  	_ =	swait.ge [sflag:s16], $0x4000  }
0x2b: {  	s18 =	ssub.s32 $0x2, s18;
	[sflag:s16] =	ssyncset.done $0x0  }
0x2c: {  	s19 =	sshrl.u32 s18, $0x1;
	[sflag:s16] =	ssyncadd.s32 $0xFFFFC000  }
0x2d: {  	s18 =	ssub.s32 s18, s19;
	_ =	swait.ge [sflag:s16], $0x4000  }
0x2e: {  	s18 =	smax.u32 s18, $0x1;
	[sflag:s16] =	ssyncset.done $0x0  }
0x2f: {  	p0 =	sne.s32 s18, $0x1;
	[sflag:s16] =	ssyncadd.s32 $0xFFFFC000  }
.Ltmp0:
0x30: {  	_ =	swait.ge [sflag:s16], $0x4000;
	(pc) =	sbr.rel @!p0 .LBB2_2-.Ltmp0, $4  }
0x31: {  	[sflag:s16] =	ssyncset.done $0x0  }
0x32: {  	[sflag:s16] =	ssyncadd.s32 $0xFFFFC000  }
0x33: {  	_ =	swait.ge [sflag:s16], $0x4000  }
0x34: {  	s18 =	sadd.s32 $0xFFFFFFFF, s18;
	[sflag:s16] =	ssyncset.done $0x0  }
.LBB2_1:
0x35: {  	p0 =	sne.s32 s18, $0x1;
	s18 =	sadd.s32 $0xFFFFFFFF, s18;
	[sflag:s16] =	ssyncadd.s32 $0xFFFFC000  }
0x36: {  	[tilespmem:s4], [sflag:$0x1] =	stream.linear.gather [hbm4b:s5+s4], $0x80, $0x38;
	[tilespmem:$0x10100] =	vst v63  }
0x37: {  	_ = 	snop  }
0x38: {  	[tilespmem:s7], [sflag:$0x1] =	stream.linear.gather [hbm4b:s6+s4], $0x80, $0x38;
	[tilespmem:$0x10100] =	vst v63  }
0x39: {  	_ =	swait.ge [sflag:s8], $0x80  }
0x3a: {  	[sflag:s8] =	ssyncset.done $0x0  }
0x3b: {  	[sflag:s8] =	ssyncadd.s32 $0xFFFFFF80  }
0x3c: {  	[tilespmem:s9], [sflag:$0x1] =	stream.indirect.gather [hbm4b:s0+s7], $0x80, s4, s7, $0xb8;
	[tilespmem:$0x10100] =	vst v63  }
0x3d: {  	_ = 	snop  }
0x3e: {  	[tilespmem:s10], [sflag:$0x1] =	stream.indirect.gather [hbm4b:s2+s7], $0x80, s4, s7, $0xb8;
	[tilespmem:$0x10100] =	vst v63  }
0x3f: {  	_ =	swait.ge [sflag:s8], $0x80  }
0x40: {  	[sflag:s8] =	ssyncset.done $0x0  }
0x41: {  	[sflag:s8] =	ssyncadd.s32 $0xFFFFFF80  }
0x42: {  	[tilespmem:s11], [sflag:$0x1] =	stream.indirect.gather [hbm4b:s0+s7], $0x80, s7, s7, $0xb8;
	[tilespmem:$0x10100] =	vst v63  }
0x43: {  	_ = 	snop  }
0x44: {  	[tilespmem:s12], [sflag:$0x1] =	stream.indirect.gather [hbm4b:s2+s7], $0x80, s7, s7, $0xb8;
	[tilespmem:$0x10100] =	vst v63  }
0x45: {  	_ =	swait.ge [sflag:s8], $0x4000  }
0x46: {  	[sflag:s8] =	ssyncset.done $0x0  }
0x47: {  	[sflag:s8] =	ssyncadd.s32 $0xFFFFC000  }
0x48: {  	[hbm4b:s13+s4] =	stream.linear.scatter [tilespmem:s9], [sflag:$0x2], $0x4000, $0x38;
	[tilespmem:$0x10100] =	vst v63  }
0x49: {  	_ =	swait.ge [sflag:s8], $0x4000  }
0x4a: {  	[sflag:s8] =	ssyncset.done $0x0  }
0x4b: {  	[sflag:s8] =	ssyncadd.s32 $0xFFFFC000  }
0x4c: {  	[hbm4b:s14+s4] =	stream.linear.scatter [tilespmem:s10], [sflag:$0x2], $0x4000, $0x38;
	[tilespmem:$0x10100] =	vst v63  }
0x4d: {  	_ =	swait.ge [sflag:s8], $0x4000  }
0x4e: {  	[sflag:s8] =	ssyncset.done $0x0  }
0x4f: {  	[sflag:s8] =	ssyncadd.s32 $0xFFFFC000  }
0x50: {  	[hbm4b:s15+s4] =	stream.linear.scatter [tilespmem:s11], [sflag:$0x2], $0x4000, $0x38;
	[tilespmem:$0x10100] =	vst v63  }
0x51: {  	_ =	swait.ge [sflag:s8], $0x4000  }
0x52: {  	[sflag:s8] =	ssyncset.done $0x0  }
0x53: {  	[sflag:s8] =	ssyncadd.s32 $0xFFFFC000  }
0x54: {  	[hbm4b:s17+s4] =	stream.linear.scatter [tilespmem:s12], [sflag:$0x2], $0x4000, $0x38;
	[tilespmem:$0x10100] =	vst v63  }
0x55: {  	_ =	swait.ge [sflag:s16], $0x4000  }
0x56: {  	[sflag:s16] =	ssyncset.done $0x0  }
0x57: {  	[sflag:s16] =	ssyncadd.s32 $0xFFFFC000  }
0x58: {  	_ =	swait.ge [sflag:s16], $0x4000  }
0x59: {  	[sflag:s16] =	ssyncset.done $0x0  }
0x5a: {  	[sflag:s16] =	ssyncadd.s32 $0xFFFFC000  }
.Ltmp1:
0x5b: {  	_ =	swait.ge [sflag:s16], $0x4000;
	(pc) =	sbr.rel @p0 .LBB2_1-.Ltmp1, $4  }
0x5c: {  	[sflag:s16] =	ssyncset.done $0x0  }
0x5d: {  	[sflag:s16] =	ssyncadd.s32 $0xFFFFC000  }
0x5e: {  	_ =	swait.ge [sflag:s16], $0x4000  }
0x5f: {  	[sflag:s16] =	ssyncset.done $0x0  }
.LBB2_2:
0x60: {  	[sflag:s16] =	ssyncadd.s32 $0xFFFFC000  }
0x61: {  	_ =	sfence.sel $0x180000  }
0x62: {  	[bflag:$0x0] =	sbarrier.arrive $0xFFFF  }
0x63: {  	p0 =	sne.s32 s1, $0x0;
	_ =	strace $0x90000047  }
0x64: {  	s0 =	sadd.s32 @!p0 $0x100000, s3;
	[bflag:$0x2] =	sbarrier.arrive $0xFFFF  }
0x65: {  	[sflag:s0] =	ssyncadd.tile.s32 @!p0 $0x1;
	_ =	shalt  }
.Lfunc_end2:
_tile_overlayer_lowered:
.L_overlay_start_2:
0x66: {  	(tag) =	ssettag $0x2  }
0x67: {  	s0 =	rddreg [dreg:$0x0];
	s2 =	stileid.u32  }
0x68: {  	s1 =	rddreg [dreg:$0x1];
	p0 =	sne.s32 s2, $0x0  }
0x69: {  	s3 =	rddreg [dreg:$0x2];
	[bflag:$0x3] =	sbarrier.arrive $0xFFFF;
	s2 =	simm.s32 @!p0 $0x1C03  }
0x6a: {  	[timem:s3], [sflag:s2] =	dma.local @!p0 [hbm:s0], s1  }
0x6b: {  	s0 =	simm.s32 @!p0 $0x3  }
0x6c: {  	_ =	swait.ge @!p0 [sflag:s0], s1  }
0x6d: {  	s1 =	ssub.s32 @!p0 $0x0, s1;
	[sflag:s0] =	ssyncset.done @!p0 $0x0  }
0x6e: {  	[sflag:s0] =	ssyncadd.s32 @!p0 s1  }
0x6f: {  	[bflag:$0x3] =	sbarrier.arrive $0xFFFF  }
0x70: {  	_ =	shalt  }

</sc_bundles>
